<compile_context>
chip_gen: v7x
topology: tpu7x:2x2x1
jax: 0.10.2.dev20260603
libtpu: 0.0.44.dev20260713+nightly
codegen_flags: <defaults>
</compile_context>

<pallas_src>
import functools

import jax
import jax.numpy as jnp
from jax.experimental import pallas as pl


def _copy_kernel(v_ref, o_ref):
    o_ref[...] = v_ref[...] * 2.0


@functools.partial(jax.jit, static_argnames=("rb",))
def _run(batch_video, row_table, col_table, gamma, beta, rb=8192):
    bsz, hsz, height, width = batch_video.shape
    n = bsz * hsz * height * width
    v = batch_video.reshape(n // 128, 128)
    out = pl.pallas_call(
        _copy_kernel,
        grid=(n // 128 // rb,),
        in_specs=[pl.BlockSpec((rb, 128), lambda i: (i, 0))],
        out_specs=pl.BlockSpec((rb, 128), lambda i: (i, 0)),
        out_shape=jax.ShapeDtypeStruct((n // 128, 128), batch_video.dtype),
    )(v)
    return out.reshape(bsz, hsz, height, width)


def kernel(batch_video, row_table, col_table, gamma, beta):
    return _run(batch_video, row_table, col_table, gamma, beta)

# --- scband reference (transcript-rebuilt; emitter-appended) ---
"""Pipeline reference for scband-visual-input-embedding-2362232013395 (READ-ONLY COPY).

The authoritative reference and input builder live on the scoring server;
editing this copy changes nothing except your own understanding.
"""

import jax, jax.numpy as jnp
import numpy as np

B = 128
HSZ = 768
H = 24
W = 24
MAX_ROW = 100
MAX_COL = 100
EPS = 1e-12


def setup_inputs(seed: int = 0) -> dict:
    key = jax.random.key(seed)
    k1, k2, k3 = jax.random.split(key, 3)
    return {
        "batch_video": jax.random.normal(k1, (B, HSZ, H, W), dtype=jnp.float32),
        "row_table": jax.random.normal(k2, (MAX_ROW, HSZ), dtype=jnp.float32) * 0.02,
        "col_table": jax.random.normal(k3, (MAX_COL, HSZ), dtype=jnp.float32) * 0.02,
        "gamma": jnp.ones((HSZ,), dtype=jnp.float32),
        "beta": jnp.zeros((HSZ,), dtype=jnp.float32),
    }


def reference(batch_video, row_table, col_table, gamma, beta):
    bsz, hsz, height, width = batch_video.shape
    # row positional embedding lookup: (height, hsz)
    row_position_ids = jnp.arange(height, dtype=jnp.int32)
    row_position_embeddings = jnp.take(row_table, row_position_ids, axis=0)
    # faithful to torch .view(1, hsz, height, 1): a raw row-major reshape
    x = batch_video + jnp.reshape(row_position_embeddings, (1, hsz, height, 1))
    # col positional embedding lookup: (width, hsz)
    col_position_ids = jnp.arange(width, dtype=jnp.int32)
    col_position_embeddings = jnp.take(col_table, col_position_ids, axis=0)
    x = x + jnp.reshape(col_position_embeddings, (1, hsz, 1, width))
    # BatchNorm2d in training mode (module default): batch stats over (B, H, W) per channel
    mean = jnp.mean(x, axis=(0, 2, 3), keepdims=True)
    var = jnp.var(x, axis=(0, 2, 3), keepdims=True)  # biased variance, as torch BN uses for normalization
    xn = (x - mean) / jnp.sqrt(var + EPS)
    out = xn * gamma.reshape(1, hsz, 1, 1) + beta.reshape(1, hsz, 1, 1)
    return out

if __name__ == "__main__":
    import jax
    _d = setup_inputs()
    print(jax.jit(kernel)(*tuple(_d.values())))

</pallas_src>

<mosaic_0001>
module attributes {stable_mosaic.version = 14 : i64} {
  func.func @_copy_kernel(%arg0: i32, %arg1: memref<8192x128xf32, #tpu.memory_space<vmem>>, %arg2: memref<8192x128xf32, #tpu.memory_space<vmem>>) attributes {dimension_semantics = [#tpu.dimension_semantics<arbitrary>], iteration_bounds = array<i64: 54>, scalar_prefetch = 0 : i64, scratch_operands = 0 : i64, tpu.core_type = #tpu.core_type<tc>, window_params = [{transform_indices = @transform_0, window_bounds = array<i64: 8192, 128>}, {transform_indices = @transform_1, window_bounds = array<i64: 8192, 128>}]} {
    %get3A = arith.constant 0 : index
    %get3A_0 = arith.constant 0 : index
    %get3A_1 = vector.load %arg1[%get3A, %get3A_0] : memref<8192x128xf32, #tpu.memory_space<vmem>>, vector<8192x128xf32>
    %mul3A = arith.constant 2.000000e+00 : f32
    %mul3A_2 = vector.broadcast %mul3A : f32 to vector<8192x128xf32>
    %mul3A_3 = arith.mulf %get3A_1, %mul3A_2 : vector<8192x128xf32>
    %swap3A = arith.constant 0 : index
    %swap3A_4 = arith.constant 0 : index
    %swap3A_5 = vector.load %arg2[%swap3A, %swap3A_4] : memref<8192x128xf32, #tpu.memory_space<vmem>>, vector<8192x128xf32>
    tpu.vector_store %arg2[%swap3A, %swap3A_4], %mul3A_3 {strides = array<i32>} : memref<8192x128xf32, #tpu.memory_space<vmem>>, vector<8192x128xf32>,
    return
  }
  func.func @transform_0(%arg0: i32) -> (i32, i32) {
    %c0_i32 = arith.constant 0 : i32
    %c0_i32_0 = arith.constant 0 : i32
    return %arg0, %c0_i32 : i32, i32
  }
  func.func @transform_1(%arg0: i32) -> (i32, i32) {
    %c0_i32 = arith.constant 0 : i32
    %c0_i32_0 = arith.constant 0 : i32
    return %arg0, %c0_i32 : i32, i32
  }
}

</mosaic_0001>

<sc_bundles>
// kernel: sparse-core-data-format-call.cloned.1.call-start
scs
called_computation_lowered:
.L_overlay_start_0:
0x0: {  	s2 =	sld [smem:$0x3FD9]  }
0x1: {  	s3 =	sld [smem:$0x3FFE];
	_ =	sdelay $0x1  }
0x2: {  	s1 =	srdreg.scid  }
0x3: {  	s0 =	sand.u32 $0x1, s1  }
0x4: {  	s18 =	sshll.u32 s0, $0xA;
	s2 =	sadd.s32 s3, s2  }
0x5: {  	s2 =	sadd.s32 s2, s18  }
0x6: {  	[smem:$0x3FC7] =	sst s2  }
0x7: {  	_ = 	snop  }
0x8: {  	s2 =	sld [smem:$0x3FD0];
	(tm) =	ssettm $0x1  }
0x9: {  	s19 =	sld [smem:$0x3FFB];
	_ =	sdelay $0x3  }
0xa: {  	_ =	strace s19  }
0xb: {  	s3 =	sld [smem:$0x3FFC];
	_ =	sdelay $0x3  }
0xc: {  	_ =	strace s3  }
0xd: {  	s3 =	sld [smem:$0x3FFD];
	_ =	sdelay $0x3  }
0xe: {  	_ =	strace s3  }
0xf: {  	_ =	strace $0x8FFFFFFF  }
0x10: {  	s20 =	sld [smem:$0x3FDB];
	_ =	sdelay $0x1  }
0x11: {  	s4 =	simm.s32 $_scs_section_size  }
0x12: {  	s5 =	simm.s32 $_size__tile_overlayer_lowered;
	s6 =	simm.s32 $_tile_overlayer_lowered  }
0x13: {  	s23 =	simm.s32 $0x1BFF;
	s22 =	sshll.u32 s6, $0x1;
	s3 =	sadd.s32 s4, s20  }
0x14: {  	s7 =	simm.s32 $0x0;
	s21 =	sshll.u32 s5, $0x1;
	s5 =	sadd.s32 s22, s3  }
0x15: {  	[timem:s7], [sflag:s23] =	dma.local [hbm:s5], s21  }
0x16: {  	_ =	swait.ge [sflag:s23], s21  }
0x17: {  	s4 =	ssub.s32 $0x0, s21;
	[sflag:s23] =	ssyncset.done $0x0  }
0x18: {  	[sflag:s23] =	ssyncadd.s32 s4;
	_ =	sdelay $0x1  }
0x19: {  	s24 =	simm.s32 $0x1B8B  }
0x1a: {  	_ =	swait.ge [sflag:s24], $0x1  }
0x1b: {  	[sflag:s24] =	ssyncset.done $0x0  }
0x1c: {  	s26 =	simm.s32 $0x1B8E;
	s25 =	sld [smem:$0x3FFE];
	[sflag:s24] =	ssyncadd.s32 $0xFFFFFFFF  }
0x1d: {  	s27 =	simm.s32 $execute0_lowered;
	[smem:$0x3FD2] =	sst s26  }
0x1e: {  	s5 =	sshll.u32 s27, $0x1;
	_ =	strace $0x80000046;
	[dreg:$0x1] =	wrdreg $0xFFFFFFFF  }
0x1f: {  	s28 =	simm.s32 $_size_execute0_lowered;
	s3 =	sadd.s32 s3, s5;
	[dreg:$0x0] =	wrdreg $0x0  }
0x20: {  	s5 =	sshll.u32 s28, $0x1;
	[dreg:$0x2] =	wrdreg s3  }
0x21: {  	[dreg:$0x3] =	wrdreg s5  }
0x22: {  	[dreg:$0x4] =	wrdreg $0xC0  }
0x23: {  	_ =	task [dreg:s7], $0x5FFFF  }
0x24: {  	[dreg:$0x1] =	wrdreg $0xFFFFFFFF  }
0x25: {  	[dreg:$0x0] =	wrdreg $0x60  }
0x26: {  	[dreg:$0x2] =	wrdreg s25  }
0x27: {  	[dreg:$0x3] =	wrdreg s2  }
0x28: {  	[dreg:$0x4] =	wrdreg $0x9  }
0x29: {  	_ =	task.clear_ibuf [dreg:s7], $0x5FFFF;
	_ =	strace $0x90000046  }
0x2a: {  	s29 =	simm.s32 $0x9;
	_ =	strace $0x80000048  }
0x2b: {  	_ =	swait.ge [sflag:s29], $0x1  }
0x2c: {  	[sflag:s29] =	ssyncadd.s32 $0xFFFFFFFF  }
0x2d: {  	_ =	strace $0x90000048  }
0x2e: {  	_ =	sfence  }
0x2f: {  	s30 =	sld [smem:$0x0];
	_ =	sdelay $0x2  }
0x30: {  	s31 =	sshll.u32 s1, $0xD;
	s1 =	sshrl.u32 s1, $0x2  }
0x31: {  	s3 =	sand.u32 $0x4000, s31;
	s1 =	sadd.s32 s1, s30  }
0x32: {  	s0 =	sor.u32 s3, s0;
	s1 =	sshll.u32 s1, $0x11  }
0x33: {  	s0 =	sor.u32 s1, s0  }
0x34: {  	s0 =	sadd.s32 $0x8F2B, s0  }
0x35: {  	[sflag:s0] =	ssyncadd.remote.s32 $0x1  }
0x36: {  	_ =	sfence.sel $0xFFFF  }
0x37: {  	[dreg:$0x0] =	wrdreg $0xFFFFFFFF;
	(pc) =	sbr.abs _section_cstart, $3  }
0x38: {  	[dreg:$0x1] =	wrdreg $0xFFFFFFFF  }
0x39: {  	_ =	task.clear_ibuf [dreg:s7], $0x2FFFF;
	_ =	strace $0x9FFFFFFF  }
0x3a: {  	(tm) =	ssettm $0x7FFFFFFF  }
0x3b: {  	_ =	shalt  }
tec
execute0_lowered:
.L_overlay_start_1:
0x0: {  	(tag) =	ssettag $0x1  }
0x1: {  	s1 =	stileid.u32;
	s0 =	srdreg.scid  }
0x2: {  	s3 =	rddreg [dreg:$0x0];
	_ =	strace $0x80000047;
	s13 =	simm.s32 $0x1  }
0x3: {  	s26 =	simm.s32 $0x2;
	s31 =	simm.s32 $0x0;
	s27 =	simm.s32 $0x0  }
0x4: {  	s30 =	simm.s32 $0x0;
	s2 =	sshll.u32 s1, $0x4;
	s19 =	sadd.s32 $0x6C0400, s3  }
0x5: {  	s0 =	sshll.u32 s0, $0x8;
	s20 =	sadd.s32 $0x708400, s3;
	s21 =	sadd.s32 $0x750400, s3  }
0x6: {  	s22 =	sadd.s32 $0x798400, s3;
	s23 =	sadd.s32 $0x7E0400, s3;
	[dreg:$0x3] =	wrdreg s19  }
0x7: {  	s24 =	sadd.s32 $0x828400, s3;
	s25 =	sadd.s32 $0x870400, s3;
	[dreg:$0x4] =	wrdreg s20  }
0x8: {  	s14 =	sadd.s32 $0x8B8400, s3;
	s15 =	sadd.s32 $0x900400, s3;
	[dreg:$0x5] =	wrdreg s21  }
0x9: {  	[sflag:s13] =	ssyncpa.u1 $0x0;
	s16 =	sadd.s32 $0x948400, s3;
	[dreg:$0x6] =	wrdreg s22  }
0xa: {  	s1 =	sand.u32 $0x70, s2;
	s0 =	sor.u32 s2, s0;
	[dreg:$0x7] =	wrdreg s23  }
0xb: {  	[dreg:$0x8] =	wrdreg s24;
	s2 =	sand.u32 $0x180, s0;
	s17 =	ssub.s32 $0x80, s1  }
0xc: {  	[dreg:$0x9] =	wrdreg s25;
	s4 =	sand.u32 $0x70, s17;
	s5 =	ssub.s32 $0x300, s2  }
0xd: {  	p0 =	sne.s32 s4, $0x0;
	s4 =	simm.s32 $0x1;
	s6 =	sand.u32 $0x180, s5  }
0xe: {  	s4 =	simm.s32 @!p0 $0x0;
	p0 =	sne.s32 s6, $0x0;
	s6 =	simm.s32 $0x1  }
0xf: {  	s0 =	sshrl.u32 s17, $0x7;
	s5 =	sshrl.u32 s5, $0x9;
	s6 =	simm.s32 @!p0 $0x0  }
0x10: {  	s19 =	sadd.s32 $0xA20400, s3;
	s0 =	sadd.s32 s4, s0;
	s18 =	sadd.s32 s6, s5  }
0x11: {  	s20 =	sadd.s32 $0xA68400, s3;
	s21 =	sadd.s32 $0xAB0400, s3;
	s0 =	smul.u32 s18, s0  }
.Ltmp0:
0x12: {  	[sflag:s26] =	ssyncpa.u1 $0x0;
	s22 =	sadd.s32 $0xAF8400, s3;
	(pc) =	sbr.rel .LBB1_1-.Ltmp0, $4  }
0x13: {  	s24 =	simm.s32 $0xC00;
	s26 =	simm.s32 $0x0;
	s29 =	smov.u32 s1  }
0x14: {  	s17 =	sadd.s32 $0x990400, s3;
	s28 =	smov.u32 s2;
	s6 =	smul.u32 $0x48, s0  }
0x15: {  	p0 =	por $0x0, $0x0;
	s4 =	simm.s32 $0x0;
	s18 =	sadd.s32 $0x9D8400, s3  }
0x16: {  	s3 =	simm.s32 $0x0;
	s0 =	simm.s32 $0x0;
	s23 =	sor.u32 $0x1, s6  }
.LBB1_9:
0x17: {  	s5 =	sadd.s32 $0x8, s26  }
0x18: {  	s0 =	simm.s32 $0x1;
	p2 =	sgt.s32 s5, $0x17  }
0x19: {  	s0 =	simm.s32 @!p2 $0x0  }
0x1a: {  	s7 =	sadd.s32 s0, s27  }
0x1b: {  	s8 =	smov.u32 s28;
	s0 =	sadd.s32 $0x200, s28;
	p3 =	sgt.s32 s7, $0x17  }
0x1c: {  	s8 =	smov.u32 @p3 s0  }
0x1d: {  	s9 =	smov.u32 s29;
	s0 =	sadd.s32 $0x80, s29;
	p4 =	sgt.s32 s8, $0x2FF  }
0x1e: {  	p1 =	slt.u32 s30, $0x2;
	s9 =	smov.u32 @p4 s0  }
0x1f: {  	s31 =	smov.u32 s27;
	s5 =	simm.s32 @p2 $0x0;
	p2 =	sgt.s32 s9, $0x7F  }
0x20: {  	s10 =	simm.s32 @!p1 $0x2;
	s9 =	smov.u32 @p2 s1;
	p2 =	sne.s32 s30, s23  }
.Ltmp1:
0x21: {  	s4 =	smov.u32 s28;
	_ =	swait.ge @!p1 [sflag:s10], $0x4000;
	(pc) =	sbr.rel @!p2 .LBB1_10-.Ltmp1, $4  }
0x22: {  	s3 =	smov.u32 s29;
	[sflag:s10] =	ssyncset.done @!p1 $0x0;
	s7 =	simm.s32 @p3 $0x0  }
0x23: {  	p0 =	por !p0, !p0;
	[sflag:s10] =	ssyncadd.s32 @!p1 $0xFFFFC000;
	s27 =	smov.u32 s7  }
0x24: {  	s8 =	smov.u32 @p4 s2;
	s0 =	smov.u32 s26;
	s26 =	smov.u32 s5  }
0x25: {  	s28 =	smov.u32 s8;
	s30 =	sadd.s32 $0x1, s30;
	s29 =	smov.u32 s9  }
.LBB1_1:
0x26: {  	p1 =	sge.u32 s30, s6  }
.Ltmp2:
0x27: {  	_ = 	snop;
	(pc) =	sbr.rel @p1 .LBB1_3-.Ltmp2, $1  }
0x28: {  	_ =	sdelay $0x3  }
0x29: {  	s5 =	sshll.u32 s27, $0x7;
	s7 =	sshll.u32 s26, $0x3  }
0x2a: {  	s8 =	sand.u32 $0xFFFFFC00, s5;
	s7 =	sand.u32 $0xFFFFFC00, s7  }
0x2b: {  	s5 =	sand.u32 $0x380, s5;
	s7 =	sadd.s32 s8, s7  }
0x2c: {  	s5 =	sor.u32 s5, s7  }
0x2d: {  	s7 =	sshrl.u32 s5, $0x7  }
0x2e: {  	s5 =	smulhi.u32 $0xAAAAAAB, s7  }
0x2f: {  	s25 =	smul.u32 $0x48000, s29  }
0x30: {  	s10 =	smul.u32 $0x18, s5  }
0x31: {  	s5 =	smul.u32 $0x180, s28  }
0x32: {  	s9 =	sxor.u32 $0xFFFFFFFF, s30;
	s11 =	sshrl.u32 s26, $0x3;
	s8 =	ssub.s32 s7, s10  }
0x33: {  	s10 =	sadd.s32 s25, s5;
	s7 =	sand.u32 $0xF, s11;
	s11 =	rddreg [dreg:$0x3]  }
0x34: {  	s12 =	sand.u32 $0x7, s26;
	s9 =	sshll.u32 s9, $0xE;
	s10 =	sadd.s32 s11, s10  }
0x35: {  	s8 =	sshll.u32 s8, $0x4;
	s11 =	sshll.u32 s12, $0x12;
	s10 =	sadd.s32 s7, s10  }
0x36: {  	s9 =	sand.u32 $0x4000, s9;
	s12 =	sadd.s32 s8, s10;
	s10 =	sor.u32 $0x8, s11  }
0x37: {  	[tilespmem:s9], [sflag:$0x1] =	stream.strided.gather [hbm4b:s12+s10], $0x400, s24, s10, $0x38;
	[tilespmem:$0x10100] =	vst v63  }
0x38: {  	s12 =	rddreg [dreg:$0x4]  }
0x39: {  	s11 =	sadd.s32 s25, s12  }
0x3a: {  	s11 =	sadd.s32 s5, s11  }
0x3b: {  	s11 =	sadd.s32 s7, s11  }
0x3c: {  	s12 =	sor.u32 $0x400, s9;
	s11 =	sadd.s32 s8, s11  }
0x3d: {  	[tilespmem:s12], [sflag:$0x1] =	stream.strided.gather [hbm4b:s11+s10], $0x400, s24, s10, $0x38;
	[tilespmem:$0x10100] =	vst v63  }
0x3e: {  	s12 =	rddreg [dreg:$0x5]  }
0x3f: {  	s11 =	sadd.s32 s25, s12  }
0x40: {  	s11 =	sadd.s32 s5, s11  }
0x41: {  	s11 =	sadd.s32 s7, s11  }
0x42: {  	s12 =	sor.u32 $0x800, s9;
	s11 =	sadd.s32 s8, s11  }
0x43: {  	[tilespmem:s12], [sflag:$0x1] =	stream.strided.gather [hbm4b:s11+s10], $0x400, s24, s10, $0x38;
	[tilespmem:$0x10100] =	vst v63  }
0x44: {  	s12 =	rddreg [dreg:$0x6]  }
0x45: {  	s11 =	sadd.s32 s25, s12  }
0x46: {  	s11 =	sadd.s32 s5, s11  }
0x47: {  	s11 =	sadd.s32 s7, s11  }
0x48: {  	s12 =	sor.u32 $0xC00, s9;
	s11 =	sadd.s32 s8, s11  }
0x49: {  	[tilespmem:s12], [sflag:$0x1] =	stream.strided.gather [hbm4b:s11+s10], $0x400, s24, s10, $0x38;
	[tilespmem:$0x10100] =	vst v63  }
0x4a: {  	s12 =	rddreg [dreg:$0x7]  }
0x4b: {  	s11 =	sadd.s32 s25, s12  }
0x4c: {  	s11 =	sadd.s32 s5, s11  }
0x4d: {  	s11 =	sadd.s32 s7, s11  }
0x4e: {  	s12 =	sor.u32 $0x1000, s9;
	s11 =	sadd.s32 s8, s11  }
0x4f: {  	[tilespmem:s12], [sflag:$0x1] =	stream.strided.gather [hbm4b:s11+s10], $0x400, s24, s10, $0x38;
	[tilespmem:$0x10100] =	vst v63  }
0x50: {  	s12 =	rddreg [dreg:$0x8]  }
0x51: {  	s11 =	sadd.s32 s25, s12  }
0x52: {  	s11 =	sadd.s32 s5, s11  }
0x53: {  	s11 =	sadd.s32 s7, s11  }
0x54: {  	s12 =	sor.u32 $0x1400, s9;
	s11 =	sadd.s32 s8, s11  }
0x55: {  	[tilespmem:s12], [sflag:$0x1] =	stream.strided.gather [hbm4b:s11+s10], $0x400, s24, s10, $0x38;
	[tilespmem:$0x10100] =	vst v63  }
0x56: {  	s12 =	rddreg [dreg:$0x9]  }
0x57: {  	s11 =	sadd.s32 s25, s12  }
0x58: {  	s11 =	sadd.s32 s5, s11  }
0x59: {  	s11 =	sadd.s32 s7, s11  }
0x5a: {  	s12 =	sor.u32 $0x1800, s9;
	s11 =	sadd.s32 s8, s11  }
0x5b: {  	[tilespmem:s12], [sflag:$0x1] =	stream.strided.gather [hbm4b:s11+s10], $0x400, s24, s10, $0x38;
	[tilespmem:$0x10100] =	vst v63  }
0x5c: {  	s12 =	sadd.s32 s25, s14  }
0x5d: {  	s11 =	sadd.s32 s5, s12  }
0x5e: {  	s11 =	sadd.s32 s7, s11  }
0x5f: {  	s12 =	sor.u32 $0x1C00, s9;
	s11 =	sadd.s32 s8, s11  }
0x60: {  	[tilespmem:s12], [sflag:$0x1] =	stream.strided.gather [hbm4b:s11+s10], $0x400, s24, s10, $0x38;
	[tilespmem:$0x10100] =	vst v63  }
0x61: {  	s12 =	sadd.s32 s25, s15  }
0x62: {  	s11 =	sadd.s32 s5, s12  }
0x63: {  	s11 =	sadd.s32 s7, s11  }
0x64: {  	s12 =	sor.u32 $0x2000, s9;
	s11 =	sadd.s32 s8, s11  }
0x65: {  	[tilespmem:s12], [sflag:$0x1] =	stream.strided.gather [hbm4b:s11+s10], $0x400, s24, s10, $0x38;
	[tilespmem:$0x10100] =	vst v63  }
0x66: {  	s12 =	sadd.s32 s25, s16  }
0x67: {  	s11 =	sadd.s32 s5, s12  }
0x68: {  	s11 =	sadd.s32 s7, s11  }
0x69: {  	s12 =	sor.u32 $0x2400, s9;
	s11 =	sadd.s32 s8, s11  }
0x6a: {  	[tilespmem:s12], [sflag:$0x1] =	stream.strided.gather [hbm4b:s11+s10], $0x400, s24, s10, $0x38;
	[tilespmem:$0x10100] =	vst v63  }
0x6b: {  	s12 =	sadd.s32 s25, s17  }
0x6c: {  	s11 =	sadd.s32 s5, s12  }
0x6d: {  	s11 =	sadd.s32 s7, s11  }
0x6e: {  	s12 =	sor.u32 $0x2800, s9;
	s11 =	sadd.s32 s8, s11  }
0x6f: {  	[tilespmem:s12], [sflag:$0x1] =	stream.strided.gather [hbm4b:s11+s10], $0x400, s24, s10, $0x38;
	[tilespmem:$0x10100] =	vst v63  }
0x70: {  	s12 =	sadd.s32 s25, s18  }
0x71: {  	s11 =	sadd.s32 s5, s12  }
0x72: {  	s11 =	sadd.s32 s7, s11  }
0x73: {  	s12 =	sor.u32 $0x2C00, s9;
	s11 =	sadd.s32 s8, s11  }
0x74: {  	[tilespmem:s12], [sflag:$0x1] =	stream.strided.gather [hbm4b:s11+s10], $0x400, s24, s10, $0x38;
	[tilespmem:$0x10100] =	vst v63  }
0x75: {  	s12 =	sadd.s32 s25, s19  }
0x76: {  	s11 =	sadd.s32 s5, s12  }
0x77: {  	s11 =	sadd.s32 s7, s11  }
0x78: {  	s12 =	sor.u32 $0x3000, s9;
	s11 =	sadd.s32 s8, s11  }
0x79: {  	[tilespmem:s12], [sflag:$0x1] =	stream.strided.gather [hbm4b:s11+s10], $0x400, s24, s10, $0x38;
	[tilespmem:$0x10100] =	vst v63  }
0x7a: {  	s12 =	sadd.s32 s25, s20  }
0x7b: {  	s11 =	sadd.s32 s5, s12  }
0x7c: {  	s11 =	sadd.s32 s7, s11  }
0x7d: {  	s12 =	sor.u32 $0x3400, s9;
	s11 =	sadd.s32 s8, s11  }
0x7e: {  	[tilespmem:s12], [sflag:$0x1] =	stream.strided.gather [hbm4b:s11+s10], $0x400, s24, s10, $0x38;
	[tilespmem:$0x10100] =	vst v63  }
0x7f: {  	s12 =	sadd.s32 s25, s21  }
0x80: {  	s11 =	sadd.s32 s5, s12  }
0x81: {  	s11 =	sadd.s32 s7, s11  }
0x82: {  	s12 =	sor.u32 $0x3800, s9;
	s11 =	sadd.s32 s8, s11  }
0x83: {  	[tilespmem:s12], [sflag:$0x1] =	stream.strided.gather [hbm4b:s11+s10], $0x400, s24, s10, $0x38;
	[tilespmem:$0x10100] =	vst v63  }
0x84: {  	s12 =	sadd.s32 s25, s22  }
0x85: {  	s5 =	sadd.s32 s5, s12  }
0x86: {  	s5 =	sadd.s32 s7, s5  }
0x87: {  	s25 =	sor.u32 $0x3C00, s9;
	s5 =	sadd.s32 s8, s5  }
0x88: {  	[tilespmem:s25], [sflag:$0x1] =	stream.strided.gather [hbm4b:s5+s10], $0x400, s24, s10, $0x38;
	[tilespmem:$0x10100] =	vst v63  }
.LBB1_3:
0x89: {  	s5 =	sadd.s32 $0xFFFFFFFF, s30  }
0x8a: {  	p1 =	sge.u32 s5, s6  }
.Ltmp3:
0x8b: {  	_ = 	snop;
	(pc) =	sbr.rel @p1 .LBB1_9-.Ltmp3, $1  }
0x8c: {  	_ =	sdelay $0x3  }
0x8d: {  	s5 =	simm.s32 $0x1;
	s7 =	sand.u32 $0x1, s30  }
0x8e: {  	s5 =	simm.s32 @!p0 $0x0;
	s9 =	smul.u32 $0x10200, s7  }
0x8f: {  	_ =	swait.ge [sflag:s13], $0x4000;
	s8 =	smul.u32 $0x10200, s5  }
0x90: {  	[sflag:s13] =	ssyncset.done $0x0;
	s7 =	sshll.u32 s5, $0xE  }
0x91: {  	[sflag:s13] =	ssyncadd.s32 $0xFFFFC000;
	s25 =	sshrl.u32 s9, $0x2;
	s12 =	sshrl.u32 s8, $0x2  }
0x92: {  	s9 =	simm.s32 $0x0;
	s5 =	sor.u32 $0x8000, s25;
	s8 =	sor.u32 $0x8000, s12  }
.LBB1_5:
0x93: {  	v0 =	vmov s7;
	_ =	sdelay $0x3  }
0x94: {  	s10 =	simm.s32 $0x0  }
0x95: {  	v1 =	vld.idx.msk [tilespmem:v0+s10+$0x0 ss:$0x1], $0xff;
	_ =	sdelay $0x2  }
0x96: {  	s25 =	simm.s32 $0x20;
	s10 =	smov.u32 s8  }
.LBB1_6:
0x97: {  	s11 =	sshra.s32 s25, $0x2;
	p1 =	sne.s32 s25, $0xFE0;
	s25 =	sadd.s32 $0x20, s25  }
.Ltmp4:
0x98: {  	[tilespmem:s10+$0x0 ss:$0x81] =	vst.msk $0xff, v1;
	v1 =	vld.idx.msk [tilespmem:v0+s11+$0x0 ss:$0x1], $0xff;
	(pc) =	sbr.rel @p1 .LBB1_6-.Ltmp4, $2  }
0x99: {  	_ =	sdelay $0x2  }
0x9a: {  	s10 =	sadd.s32 $0x1, s10  }
0x9b: {  	s9 =	sadd.s32 $0x1, s9  }
0x9c: {  	p1 =	sne.s32 s9, $0x10  }
.Ltmp5:
0x9d: {  	_ = 	snop;
	(pc) =	sbr.rel @p1 .LBB1_5-.Ltmp5, $2  }
0x9e: {  	_ =	sdelay $0x2  }
0x9f: {  	[tilespmem:s10+$0x0 ss:$0x81] =	vst.msk $0xff, v1;
	s7 =	sadd.s32 $0x400, s7;
	s8 =	sadd.s32 $0x408, s8  }
0xa0: {  	s7 =	sshrl.u32 s0, $0x3  }
0xa1: {  	s8 =	sshll.u32 s4, $0x3;
	s7 =	smul.u32 $0x1800, s7  }
0xa2: {  	s12 =	sshll.u32 s0, $0x7;
	s8 =	sand.u32 $0xFFFFFC00, s8  }
0xa3: {  	s0 =	sand.u32 $0x380, s12;
	s7 =	sadd.s32 s8, s7  }
0xa4: {  	s25 =	sand.u32 $0x7F, s4;
	s0 =	sor.u32 s0, s7  }
0xa5: {  	s4 =	sor.u32 s25, s0;
	s0 =	smulhi.u32 $0xAAAAAAAB, s0;
	_ =	sdelay $0x1  }
0xa6: {  	s8 =	smulhi.u32 $0xAAAAAAAB, s4;
	s0 =	sshrl.u32 s0, $0x9  }
0xa7: {  	s9 =	smulhi.u32 $0xAAAAAAB, s0  }
0xa8: {  	s3 =	smul.u32 $0xD800, s3  }
0xa9: {  	s7 =	sshrl.u32 s8, $0x9;
	s8 =	smul.u32 $0x18, s9  }
0xaa: {  	s10 =	smul.u32 $0x900, s31  }
0xab: {  	s7 =	smul.u32 $0x300, s7;
	s0 =	ssub.s32 s0, s8  }
0xac: {  	s11 =	rddreg [dreg:$0x1];
	s0 =	smul.u32 $0x60, s0  }
.Ltmp6:
0xad: {  	s3 =	sadd.s32 s11, s3;
	s4 =	ssub.s32 s4, s7;
	(pc) =	sbr.rel .LBB1_9-.Ltmp6, $4  }
0xae: {  	s3 =	sadd.s32 s10, s3;
	s12 =	sand.u32 $0x7, s4  }
0xaf: {  	s4 =	sshrl.u32 s4, $0x3;
	s25 =	sshll.u32 s12, $0x12;
	s0 =	sadd.s32 s0, s3  }
0xb0: {  	s31 =	simm.s32 $0x6C000;
	s3 =	sor.u32 $0x400, s25;
	s0 =	sadd.s32 s4, s0  }
0xb1: {  	[hbm4b:s0+s3] =	stream.strided.scatter [tilespmem:s5], [sflag:$0x2], $0x4000, s31, s3, $0x20;
	[tilespmem:$0x10100] =	vst v63  }
.LBB1_10:
0xb2: {  	_ =	sfence.sel $0x180000  }
0xb3: {  	s0 =	simm.s32 $0x1;
	[bflag:$0x0] =	sbarrier.arrive $0xFFFF  }
0xb4: {  	s30 =	simm.s32 $0x2;
	[sflag:s0] =	ssyncpa.u1 $0x1  }
0xb5: {  	[sflag:s30] =	ssyncpa.u1 $0x1  }
0xb6: {  	_ =	strace $0x90000047  }
0xb7: {  	s31 =	stileid.u32;
	[bflag:$0x2] =	sbarrier.arrive $0xFFFF  }
0xb8: {  	p0 =	sne.s32 s31, $0x0;
	s0 =	rddreg [dreg:$0x2]  }
0xb9: {  	s0 =	sadd.s32 @!p0 $0x100000, s0  }
0xba: {  	[sflag:s0] =	ssyncadd.tile.s32 @!p0 $0x1;
	_ =	shalt  }
.Lfunc_end1:
_tile_overlayer_lowered:
.L_overlay_start_2:
0xbb: {  	(tag) =	ssettag $0x2  }
0xbc: {  	s0 =	rddreg [dreg:$0x0];
	s2 =	stileid.u32  }
0xbd: {  	s1 =	rddreg [dreg:$0x1];
	p0 =	sne.s32 s2, $0x0  }
0xbe: {  	s3 =	rddreg [dreg:$0x2];
	[bflag:$0x3] =	sbarrier.arrive $0xFFFF;
	s2 =	simm.s32 @!p0 $0x1C01  }
0xbf: {  	[timem:s3], [sflag:s2] =	dma.local @!p0 [hbm:s0], s1  }
0xc0: {  	s0 =	simm.s32 @!p0 $0x1  }
0xc1: {  	_ =	swait.ge @!p0 [sflag:s0], s1  }
0xc2: {  	s1 =	ssub.s32 @!p0 $0x0, s1;
	[sflag:s0] =	ssyncset.done @!p0 $0x0  }
0xc3: {  	[sflag:s0] =	ssyncadd.s32 @!p0 s1  }
0xc4: {  	[bflag:$0x3] =	sbarrier.arrive $0xFFFF  }
0xc5: {  	_ =	shalt  }

</sc_bundles>
